<compile_context>
chip_gen: v7x
topology: tpu7x:2x2x1
jax: 0.10.2.dev20260603
libtpu: 0.0.44.dev20260713+nightly
codegen_flags: <defaults>
</compile_context>

<pallas_src>
import functools

import jax
import jax.numpy as jnp
from jax import lax
from jax.experimental import pallas as pl
from jax.experimental.pallas import tpu as pltpu
from jax.experimental.pallas import tpu_sc as plsc

_DOT_PREC = lax.Precision.DEFAULT


def _sc_gather(emb, idx, n_rows, d):
    info = plsc.get_sparse_core_info()
    nw = info.num_cores * info.num_subcores
    rows_per_w = n_rows // nw
    rows_per_dma = 64
    n_dma = rows_per_w // rows_per_dma
    mesh = plsc.VectorSubcoreMesh(core_axis_name="c", subcore_axis_name="s")

    @functools.partial(
        pl.kernel,
        mesh=mesh,
        out_type=jax.ShapeDtypeStruct((n_rows, d), jnp.float32),
        scratch_types=[
            pltpu.VMEM((rows_per_dma,), jnp.int32),
            pltpu.VMEM((rows_per_dma, d), jnp.float32),
            pltpu.SemaphoreType.DMA,
        ],
    )
    def gather_kernel(emb_hbm, idx_hbm, out_hbm, idx_v, rows_v, sem):
        wid = lax.axis_index("s") * info.num_cores + lax.axis_index("c")
        base = wid * rows_per_w

        def body(r, carry):
            off = base + r * rows_per_dma
            pltpu.sync_copy(idx_hbm.at[pl.ds(off, rows_per_dma)], idx_v)
            pltpu.async_copy(emb_hbm.at[idx_v], rows_v, sem).wait()
            pltpu.sync_copy(rows_v, out_hbm.at[pl.ds(off, rows_per_dma)])
            return carry

        lax.fori_loop(0, n_dma, body, 0)

    return gather_kernel(emb, idx)


def _lstm_kernel(xs_ref, yc_ref, wih_ref, whh_ref, b_ref, wcls_ref,
                 bcls_ref, out_ref, gx_ref, hs_ref, h_ref, c_ref,
                 *, t_chunk, d, vocab, n_chunks):
    i = pl.program_id(0)
    tb = t_chunk * 8

    @pl.when(i == 0)
    def _init():
        h_ref[...] = jnp.zeros_like(h_ref)
        c_ref[...] = jnp.zeros_like(c_ref)
        out_ref[...] = jnp.zeros_like(out_ref)

    gx_ref[...] = lax.dot_general(
        xs_ref[...], wih_ref[...], (((1,), (1,)), ((), ())),
        preferred_element_type=jnp.float32, precision=_DOT_PREC,
    ) + b_ref[...]

    def step(t, carry):
        h, c = carry
        g = gx_ref[pl.ds(t * 8, 8), :] + lax.dot_general(
            h.astype(whh_ref.dtype), whh_ref[...], (((1,), (1,)), ((), ())),
            preferred_element_type=jnp.float32, precision=_DOT_PREC,
        )
        gi = jax.nn.sigmoid(g[:, 0:d])
        gf = jax.nn.sigmoid(g[:, d:2 * d])
        gg = jnp.tanh(g[:, 2 * d:3 * d])
        go = jax.nn.sigmoid(g[:, 3 * d:4 * d])
        c = gf * c + gi * gg
        h = go * jnp.tanh(c)
        hs_ref[pl.ds(t * 8, 8), :] = h
        return h, c

    h, c = lax.fori_loop(0, t_chunk, step, (h_ref[...], c_ref[...]),
                         unroll=4)
    h_ref[...] = h
    c_ref[...] = c

    logits = lax.dot_general(
        hs_ref[...], wcls_ref[...], (((1,), (1,)), ((), ())),
        preferred_element_type=jnp.float32, precision=_DOT_PREC,
    ) + bcls_ref[...]
    m = jnp.max(logits, axis=1, keepdims=True)
    lse = m + jnp.log(jnp.sum(jnp.exp(logits - m), axis=1, keepdims=True))
    vi = lax.broadcasted_iota(jnp.int32, (tb, vocab), 1)
    lab = jnp.sum(jnp.where(vi == yc_ref[...], logits, 0.0),
                  axis=1, keepdims=True)
    out_ref[...] += jnp.sum(lse - lab).reshape(1, 1)

    @pl.when(i == n_chunks - 1)
    def _fin():
        out_ref[...] = out_ref[...] / (n_chunks * tb)


def kernel(x, y, emb, W_ih, W_hh, b_ih, b_hh, W_cls, b_cls):
    B, S = x.shape
    V, D = emb.shape
    T = 32
    n_chunks = S // T
    TB = T * 8

    xt = jnp.swapaxes(x, 0, 1)
    idx = jnp.concatenate([xt, xt], axis=1).reshape(-1)
    yt = jnp.swapaxes(y, 0, 1)
    ycol = jnp.concatenate([yt, yt], axis=1).reshape(-1, 1)

    xs = _sc_gather(emb, idx, S * 8, D)

    bias = (b_ih + b_hh).reshape(1, 4 * D)
    bcls = b_cls.reshape(1, V)

    body = functools.partial(_lstm_kernel, t_chunk=T, d=D, vocab=V,
                             n_chunks=n_chunks)
    out = pl.pallas_call(
        body,
        grid=(n_chunks,),
        in_specs=[
            pl.BlockSpec((TB, D), lambda i: (i, 0)),
            pl.BlockSpec((TB, 1), lambda i: (i, 0)),
            pl.BlockSpec((4 * D, D), lambda i: (0, 0)),
            pl.BlockSpec((4 * D, D), lambda i: (0, 0)),
            pl.BlockSpec((1, 4 * D), lambda i: (0, 0)),
            pl.BlockSpec((V, D), lambda i: (0, 0)),
            pl.BlockSpec((1, V), lambda i: (0, 0)),
        ],
        out_specs=pl.BlockSpec((1, 1), lambda i: (0, 0)),
        out_shape=jax.ShapeDtypeStruct((1, 1), jnp.float32),
        scratch_shapes=[
            pltpu.VMEM((TB, 4 * D), jnp.float32),
            pltpu.VMEM((TB, D), jnp.float32),
            pltpu.VMEM((8, D), jnp.float32),
            pltpu.VMEM((8, D), jnp.float32),
        ],
        compiler_params=pltpu.CompilerParams(
            dimension_semantics=("arbitrary",),
        ),
    )(xs, ycol, W_ih, W_hh.astype(jnp.bfloat16), bias, W_cls, bcls)
    return out[0, 0]

# --- scband reference (transcript-rebuilt; emitter-appended) ---
"""Pipeline reference for scband-language-model-57475252355372 (READ-ONLY COPY).

The authoritative reference and input builder live on the scoring server;
editing this copy changes nothing except your own understanding.
"""

import jax, jax.numpy as jnp
import numpy as np

V = 1000
D = 1024
B = 4
S = 2048


def setup_inputs(seed: int = 0) -> dict:
    key = jax.random.key(seed)
    ks = jax.random.split(key, 9)
    x = jax.random.randint(ks[0], (B, S), 0, V, dtype=jnp.int32)
    y = jax.random.randint(ks[1], (B, S), 0, V, dtype=jnp.int32)
    emb = jax.random.normal(ks[2], (V, D), dtype=jnp.float32)
    W_ih = jax.random.normal(ks[3], (4 * D, D), dtype=jnp.float32) * 0.02
    W_hh = jax.random.normal(ks[4], (4 * D, D), dtype=jnp.float32) * 0.02
    b_ih = jax.random.normal(ks[5], (4 * D,), dtype=jnp.float32) * 0.02
    b_hh = jax.random.normal(ks[6], (4 * D,), dtype=jnp.float32) * 0.02
    W_cls = jax.random.normal(ks[7], (V, D), dtype=jnp.float32) * 0.02
    b_cls = jax.random.normal(ks[8], (V,), dtype=jnp.float32) * 0.02
    return {"x": x, "y": y, "emb": emb, "W_ih": W_ih, "W_hh": W_hh, "b_ih": b_ih, "b_hh": b_hh, "W_cls": W_cls, "b_cls": b_cls}


def reference(x, y, emb, W_ih, W_hh, b_ih, b_hh, W_cls, b_cls):
    # Embedding lookup
    xe = jnp.take(emb, x, axis=0)  # [B, S, D]
    xs = jnp.swapaxes(xe, 0, 1)  # [S, B, D] time-major for scan
    h0 = jnp.zeros((x.shape[0], emb.shape[1]), dtype=xe.dtype)
    c0 = jnp.zeros_like(h0)

    def step(carry, xt):
        h, c = carry
        gates = xt @ W_ih.T + b_ih + h @ W_hh.T + b_hh
        i, f, g, o = jnp.split(gates, 4, axis=-1)  # PyTorch LSTM gate order: i, f, g, o
        i = jax.nn.sigmoid(i)
        f = jax.nn.sigmoid(f)
        g = jnp.tanh(g)
        o = jax.nn.sigmoid(o)
        c = f * c + i * g
        h = o * jnp.tanh(c)
        return (h, c), h

    _, hs = jax.lax.scan(step, (h0, c0), xs)
    hs = jnp.swapaxes(hs, 0, 1)  # [B, S, D]
    logits = hs @ W_cls.T + b_cls  # [B, S, V]
    # y is provided -> cross-entropy loss path (mean reduction, as F.cross_entropy default)
    logp = jax.nn.log_softmax(logits, axis=-1)
    Vd = logp.shape[-1]
    nll = -jnp.take_along_axis(logp.reshape(-1, Vd), y.reshape(-1, 1), axis=1)[:, 0]
    return jnp.mean(nll)

if __name__ == "__main__":
    import jax
    _d = setup_inputs()
    print(jax.jit(kernel)(*tuple(_d.values())))

</pallas_src>

<mosaic_0001>
#map = affine_map<(d0, d1) -> (0, 0)>
#map1 = affine_map<(d0, d1) -> (0)>
module attributes {stable_mosaic.version = 14 : i64} {
  func.func @gather_kernel(%arg0: i32, %arg1: i32, %arg2: memref<1000x1024xf32, #tpu.memory_space<hbm>>, %arg3: memref<16384xi32, #tpu.memory_space<hbm>>, %arg4: memref<16384x1024xf32, #tpu.memory_space<hbm>>, %arg5: memref<64xi32, #tpu.memory_space<vmem>>, %arg6: memref<64x1024xf32, #tpu.memory_space<vmem>>, %arg7: memref<!tpu.dma_semaphore, #tpu.memory_space<semaphore_mem>>) attributes {dimension_semantics = [#tpu.dimension_semantics<core_parallel>, #tpu.dimension_semantics<subcore_parallel>], iteration_bounds = array<i64: 2, 16>, scalar_prefetch = 0 : i64, scratch_operands = 3 : i64, tpu.core_type = #tpu.core_type<sc_vector_subcore>, window_params = [{transform_indices = #map}, {transform_indices = #map1}, {transform_indices = #map}]} {
    %mul3A = arith.constant 2 : i32
    %mul3A_0 = arith.muli %arg1, %mul3A : i32
    %add3A = arith.addi %mul3A_0, %arg0 : i32
    %mul3A_1 = arith.constant 512 : i32
    %mul3A_2 = arith.muli %add3A, %mul3A_1 : i32
    %scan3A = arith.constant 0 : i32
    %scan3A_3 = arith.constant 0 : i32
    %scan3A_4 = arith.constant 8 : i32
    %scan3A_5 = arith.addi %scan3A_3, %scan3A_4 : i32
    %scan3A_6 = arith.constant 1 : i32
    scf.for %scan3A_8 = %scan3A_3 to %scan3A_5 step %scan3A_6  : i32 {
      %mul3A_9 = arith.constant 64 : i32
      %mul3A_10 = arith.muli %scan3A_8, %mul3A_9 : i32
      %add3A_11 = arith.addi %mul3A_2, %mul3A_10 : i32
      "tpu.region"() ({
        %run_scoped3A = tpu.sem_alloc : memref<!tpu.dma_semaphore, #tpu.memory_space<semaphore_mem>>
        %dma_start3A_16 = tpu.memref_slice %arg3[%add3A_11] : memref<16384xi32, #tpu.memory_space<hbm>> -> memref<64xi32, #tpu.memory_space<hbm>>
        %dma_start3A_17 = tpu.memref_slice %arg3[%add3A_11] : memref<16384xi32, #tpu.memory_space<hbm>> -> memref<64xi32, #tpu.memory_space<hbm>>
        tpu.enqueue_dma source(%dma_start3A_17 : memref<64xi32, #tpu.memory_space<hbm>>) target(%arg5 : memref<64xi32, #tpu.memory_space<vmem>>) target_semaphore(%run_scoped3A : memref<!tpu.dma_semaphore, #tpu.memory_space<semaphore_mem>>)
        %dma_wait3A_18 = tpu.memref_slice %arg3[%add3A_11] : memref<16384xi32, #tpu.memory_space<hbm>> -> memref<64xi32, #tpu.memory_space<hbm>>
        %dma_wait3A_19 = tpu.memref_slice %arg3[%add3A_11] : memref<16384xi32, #tpu.memory_space<hbm>> -> memref<64xi32, #tpu.memory_space<hbm>>
        tpu.wait_dma2 semaphore(%run_scoped3A : memref<!tpu.dma_semaphore, #tpu.memory_space<semaphore_mem>>) src(%dma_wait3A_19 : memref<64xi32, #tpu.memory_space<hbm>>) dst(%arg5 : memref<64xi32, #tpu.memory_space<vmem>>)
        tpu.yield
      }) : () -> ()
      %dma_start3A = arith.constant 0 : i32
      %dma_start3A_12 = arith.constant 0 : i32
      %dma_start3A_13 = tpu.memref_slice %arg2[%dma_start3A, %dma_start3A_12] : memref<1000x1024xf32, #tpu.memory_space<hbm>> -> memref<1000x1024xf32, #tpu.memory_space<hbm>>
      tpu.enqueue_indirect_dma source(%dma_start3A_13 : memref<1000x1024xf32, #tpu.memory_space<hbm>>) target(%arg6 : memref<64x1024xf32, #tpu.memory_space<vmem>>) offsets(%arg5 : memref<64xi32, #tpu.memory_space<vmem>>) semaphore(%arg7 : memref<!tpu.dma_semaphore, #tpu.memory_space<semaphore_mem>>)
      %dma_wait3A = arith.constant 0 : i32
      %dma_wait3A_14 = arith.constant 0 : i32
      %dma_wait3A_15 = tpu.memref_slice %arg2[%dma_wait3A, %dma_wait3A_14] : memref<1000x1024xf32, #tpu.memory_space<hbm>> -> memref<1000x1024xf32, #tpu.memory_space<hbm>>
      tpu.wait_indirect_dma semaphore(%arg7 : memref<!tpu.dma_semaphore, #tpu.memory_space<semaphore_mem>>) src(%dma_wait3A_15 : memref<1000x1024xf32, #tpu.memory_space<hbm>>) dst(%arg6 : memref<64x1024xf32, #tpu.memory_space<vmem>>)
      "tpu.region"() ({
        %run_scoped3A = tpu.sem_alloc : memref<!tpu.dma_semaphore, #tpu.memory_space<semaphore_mem>>
        %dma_start3A_16 = arith.constant 0 : i32
        %dma_start3A_17 = tpu.memref_slice %arg4[%add3A_11, %dma_start3A_16] : memref<16384x1024xf32, #tpu.memory_space<hbm>> -> memref<64x1024xf32, #tpu.memory_space<hbm>>
        %dma_start3A_18 = arith.constant 0 : i32
        %dma_start3A_19 = tpu.memref_slice %arg4[%add3A_11, %dma_start3A_18] : memref<16384x1024xf32, #tpu.memory_space<hbm>> -> memref<64x1024xf32, #tpu.memory_space<hbm>>
        tpu.enqueue_dma source(%arg6 : memref<64x1024xf32, #tpu.memory_space<vmem>>) target(%dma_start3A_19 : memref<64x1024xf32, #tpu.memory_space<hbm>>) target_semaphore(%run_scoped3A : memref<!tpu.dma_semaphore, #tpu.memory_space<semaphore_mem>>)
        %dma_wait3A_20 = arith.constant 0 : i32
        %dma_wait3A_21 = tpu.memref_slice %arg4[%add3A_11, %dma_wait3A_20] : memref<16384x1024xf32, #tpu.memory_space<hbm>> -> memref<64x1024xf32, #tpu.memory_space<hbm>>
        %dma_wait3A_22 = arith.constant 0 : i32
        %dma_wait3A_23 = tpu.memref_slice %arg4[%add3A_11, %dma_wait3A_22] : memref<16384x1024xf32, #tpu.memory_space<hbm>> -> memref<64x1024xf32, #tpu.memory_space<hbm>>
        tpu.wait_dma2 semaphore(%run_scoped3A : memref<!tpu.dma_semaphore, #tpu.memory_space<semaphore_mem>>) src(%arg6 : memref<64x1024xf32, #tpu.memory_space<vmem>>) dst(%dma_wait3A_23 : memref<64x1024xf32, #tpu.memory_space<hbm>>)
        tpu.yield
      }) : () -> ()
    }
    %scan3A_7 = arith.constant 8 : i32
    return
  }
}

module attributes {stable_mosaic.version = 14 : i64} {
  func.func @_lstm_kernel(%arg0: i32, %arg1: memref<256x1024xf32, #tpu.memory_space<vmem>>, %arg2: memref<256x1xi32, #tpu.memory_space<vmem>>, %arg3: memref<4096x1024xf32, #tpu.memory_space<vmem>>, %arg4: memref<4096x1024xbf16, #tpu.memory_space<vmem>>, %arg5: memref<1x4096xf32, #tpu.memory_space<vmem>>, %arg6: memref<1000x1024xf32, #tpu.memory_space<vmem>>, %arg7: memref<1x1000xf32, #tpu.memory_space<vmem>>, %arg8: memref<1x1xf32, #tpu.memory_space<vmem>>, %arg9: memref<256x4096xf32, #tpu.memory_space<vmem>>, %arg10: memref<256x1024xf32, #tpu.memory_space<vmem>>, %arg11: memref<8x1024xf32, #tpu.memory_space<vmem>>, %arg12: memref<8x1024xf32, #tpu.memory_space<vmem>>) attributes {dimension_semantics = [#tpu.dimension_semantics<arbitrary>], iteration_bounds = array<i64: 64>, scalar_prefetch = 0 : i64, scratch_operands = 4 : i64, tpu.core_type = #tpu.core_type<tc>, window_params = [{transform_indices = @transform_0, window_bounds = array<i64: 256, 1024>}, {transform_indices = @transform_1, window_bounds = array<i64: 256, 1>}, {pipeline_mode = #tpu.pipeline_mode<synchronous>, transform_indices = @transform_2, window_bounds = array<i64: 4096, 1024>}, {pipeline_mode = #tpu.pipeline_mode<synchronous>, transform_indices = @transform_3, window_bounds = array<i64: 4096, 1024>}, {pipeline_mode = #tpu.pipeline_mode<synchronous>, transform_indices = @transform_4, window_bounds = array<i64: 1, 4096>}, {pipeline_mode = #tpu.pipeline_mode<synchronous>, transform_indices = @transform_5, window_bounds = array<i64: 1000, 1024>}, {pipeline_mode = #tpu.pipeline_mode<synchronous>, transform_indices = @transform_6, window_bounds = array<i64: 1, 1000>}, {pipeline_mode = #tpu.pipeline_mode<synchronous>, transform_indices = @transform_7, window_bounds = array<i64: 1, 1>}]} {
    %eq3A = arith.constant 0 : i32
    %eq3A_0 = arith.cmpi eq, %arg0, %eq3A : i32
    %convert_element_type3A = arith.extui %eq3A_0 : i1 to i32
    %cond3A = arith.constant 0 : i32
    %cond3A_1 = arith.cmpi ne, %convert_element_type3A, %cond3A : i32
    scf.if %cond3A_1 {
      %broadcast_in_dim3A_76 = arith.constant 0.000000e+00 : f32
      %broadcast_in_dim3A_77 = vector.broadcast %broadcast_in_dim3A_76 : f32 to vector<8x1024xf32>
      %swap3A_78 = arith.constant 0 : index
      %swap3A_79 = arith.constant 0 : index
      %swap3A_80 = vector.load %arg11[%swap3A_78, %swap3A_79] : memref<8x1024xf32, #tpu.memory_space<vmem>>, vector<8x1024xf32>
      tpu.vector_store %arg11[%swap3A_78, %swap3A_79], %broadcast_in_dim3A_77 {strides = array<i32>} : memref<8x1024xf32, #tpu.memory_space<vmem>>, vector<8x1024xf32>,
      %broadcast_in_dim3A_81 = arith.constant 0.000000e+00 : f32
      %broadcast_in_dim3A_82 = vector.broadcast %broadcast_in_dim3A_81 : f32 to vector<8x1024xf32>
      %swap3A_83 = arith.constant 0 : index
      %swap3A_84 = arith.constant 0 : index
      %swap3A_85 = vector.load %arg12[%swap3A_83, %swap3A_84] : memref<8x1024xf32, #tpu.memory_space<vmem>>, vector<8x1024xf32>
      tpu.vector_store %arg12[%swap3A_83, %swap3A_84], %broadcast_in_dim3A_82 {strides = array<i32>} : memref<8x1024xf32, #tpu.memory_space<vmem>>, vector<8x1024xf32>,
      %broadcast_in_dim3A_86 = arith.constant 0.000000e+00 : f32
      %broadcast_in_dim3A_87 = vector.broadcast %broadcast_in_dim3A_86 : f32 to vector<1x1xf32>
      %swap3A_88 = arith.constant 0 : index
      %swap3A_89 = arith.constant 0 : index
      %swap3A_90 = vector.load %arg8[%swap3A_88, %swap3A_89] : memref<1x1xf32, #tpu.memory_space<vmem>>, vector<1x1xf32>
      tpu.vector_store %arg8[%swap3A_88, %swap3A_89], %broadcast_in_dim3A_87 {strides = array<i32>} : memref<1x1xf32, #tpu.memory_space<vmem>>, vector<1x1xf32>,
    } else {
    }
    %get3A = arith.constant 0 : index
    %get3A_2 = arith.constant 0 : index
    %get3A_3 = vector.load %arg1[%get3A, %get3A_2] : memref<256x1024xf32, #tpu.memory_space<vmem>>, vector<256x1024xf32>
    %get3A_4 = arith.constant 0 : index
    %get3A_5 = arith.constant 0 : index
    %get3A_6 = vector.load %arg3[%get3A_4, %get3A_5] : memref<4096x1024xf32, #tpu.memory_space<vmem>>, vector<4096x1024xf32>
    %dot_general3A = arith.constant dense<0.000000e+00> : vector<256x4096xf32>
    %dot_general3A_7 = tpu.matmul %get3A_3, %get3A_6, %dot_general3A {dimension_numbers = #tpu.dot_dimension_numbers<[1], [1], [0], [0], [0, 0, 1, 0], [], []>, transpose_lhs_hint = false} : vector<256x1024xf32>, vector<4096x1024xf32>, vector<256x4096xf32> -> vector<256x4096xf32>
    %get3A_8 = arith.constant 0 : index
    %get3A_9 = arith.constant 0 : index
    %get3A_10 = vector.load %arg5[%get3A_8, %get3A_9] : memref<1x4096xf32, #tpu.memory_space<vmem>>, vector<1x4096xf32>
    %add3A = vector.broadcast %get3A_10 : vector<1x4096xf32> to vector<256x4096xf32>
    %add3A_11 = arith.addf %dot_general3A_7, %add3A : vector<256x4096xf32>
    %swap3A = arith.constant 0 : index
    %swap3A_12 = arith.constant 0 : index
    %swap3A_13 = vector.load %arg9[%swap3A, %swap3A_12] : memref<256x4096xf32, #tpu.memory_space<vmem>>, vector<256x4096xf32>
    tpu.vector_store %arg9[%swap3A, %swap3A_12], %add3A_11 {strides = array<i32>} : memref<256x4096xf32, #tpu.memory_space<vmem>>, vector<256x4096xf32>,
    %get3A_14 = arith.constant 0 : index
    %get3A_15 = arith.constant 0 : index
    %get3A_16 = vector.load %arg11[%get3A_14, %get3A_15] : memref<8x1024xf32, #tpu.memory_space<vmem>>, vector<8x1024xf32>
    %get3A_17 = arith.constant 0 : index
    %get3A_18 = arith.constant 0 : index
    %get3A_19 = vector.load %arg12[%get3A_17, %get3A_18] : memref<8x1024xf32, #tpu.memory_space<vmem>>, vector<8x1024xf32>
    %scan3A = arith.constant 0 : i32
    %scan3A_20 = arith.constant 32 : i32
    %scan3A_21 = arith.addi %scan3A, %scan3A_20 : i32
    %scan3A_22 = arith.constant 4 : i32
    %scan3A_23:2 = scf.for %scan3A_76 = %scan3A to %scan3A_21 step %scan3A_22 iter_args(%scan3A_77 = %get3A_16, %scan3A_78 = %get3A_19) -> (vector<8x1024xf32>, vector<8x1024xf32>)  : i32 {
      %mul3A = arith.constant 8 : i32
      %mul3A_79 = arith.muli %scan3A_76, %mul3A : i32
      %get3A_80 = arith.index_cast %mul3A_79 : i32 to index
      %get3A_81 = arith.constant 0 : index
      %get3A_82 = vector.load %arg9[%get3A_80, %get3A_81] : memref<256x4096xf32, #tpu.memory_space<vmem>>, vector<8x4096xf32>
      %convert_element_type3A_83 = arith.truncf %scan3A_77 : vector<8x1024xf32> to vector<8x1024xbf16>
      %get3A_84 = arith.constant 0 : index
      %get3A_85 = arith.constant 0 : index
      %get3A_86 = vector.load %arg4[%get3A_84, %get3A_85] : memref<4096x1024xbf16, #tpu.memory_space<vmem>>, vector<4096x1024xbf16>
      %dot_general3A_87 = arith.constant dense<0.000000e+00> : vector<8x4096xf32>
      %dot_general3A_88 = tpu.matmul %convert_element_type3A_83, %get3A_86, %dot_general3A_87 {dimension_numbers = #tpu.dot_dimension_numbers<[1], [1], [0], [0], [0, 0, 1, 0], [], []>, transpose_lhs_hint = false} : vector<8x1024xbf16>, vector<4096x1024xbf16>, vector<8x4096xf32> -> vector<8x4096xf32>
      %add3A_89 = arith.addf %get3A_82, %dot_general3A_88 : vector<8x4096xf32>
      %slice3A = vector.extract_strided_slice %add3A_89 {offsets = [0, 0], sizes = [8, 1024], strides = [1, 1]} : vector<8x4096xf32> to vector<8x1024xf32>
      %logistic3A = arith.negf %slice3A : vector<8x1024xf32>
      %logistic3A_90 = math.exp %logistic3A : vector<8x1024xf32>
      %logistic3A_91 = arith.constant 1.000000e+00 : f32
      %logistic3A_92 = vector.broadcast %logistic3A_91 : f32 to vector<8x1024xf32>
      %logistic3A_93 = arith.addf %logistic3A_92, %logistic3A_90 : vector<8x1024xf32>
      %logistic3A_94 = arith.divf %logistic3A_92, %logistic3A_93 : vector<8x1024xf32>
      %slice3A_95 = vector.extract_strided_slice %add3A_89 {offsets = [0, 1024], sizes = [8, 1024], strides = [1, 1]} : vector<8x4096xf32> to vector<8x1024xf32>
      %logistic3A_96 = arith.negf %slice3A_95 : vector<8x1024xf32>
      %logistic3A_97 = math.exp %logistic3A_96 : vector<8x1024xf32>
      %logistic3A_98 = arith.constant 1.000000e+00 : f32
      %logistic3A_99 = vector.broadcast %logistic3A_98 : f32 to vector<8x1024xf32>
      %logistic3A_100 = arith.addf %logistic3A_99, %logistic3A_97 : vector<8x1024xf32>
      %logistic3A_101 = arith.divf %logistic3A_99, %logistic3A_100 : vector<8x1024xf32>
      %slice3A_102 = vector.extract_strided_slice %add3A_89 {offsets = [0, 2048], sizes = [8, 1024], strides = [1, 1]} : vector<8x4096xf32> to vector<8x1024xf32>
      %tanh3A = math.tanh %slice3A_102 : vector<8x1024xf32>
      %slice3A_103 = vector.extract_strided_slice %add3A_89 {offsets = [0, 3072], sizes = [8, 1024], strides = [1, 1]} : vector<8x4096xf32> to vector<8x1024xf32>
      %logistic3A_104 = arith.negf %slice3A_103 : vector<8x1024xf32>
      %logistic3A_105 = math.exp %logistic3A_104 : vector<8x1024xf32>
      %logistic3A_106 = arith.constant 1.000000e+00 : f32
      %logistic3A_107 = vector.broadcast %logistic3A_106 : f32 to vector<8x1024xf32>
      %logistic3A_108 = arith.addf %logistic3A_107, %logistic3A_105 : vector<8x1024xf32>
      %logistic3A_109 = arith.divf %logistic3A_107, %logistic3A_108 : vector<8x1024xf32>
      %mul3A_110 = arith.mulf %logistic3A_101, %scan3A_78 : vector<8x1024xf32>
      %mul3A_111 = arith.mulf %logistic3A_94, %tanh3A : vector<8x1024xf32>
      %add3A_112 = arith.addf %mul3A_110, %mul3A_111 : vector<8x1024xf32>
      %tanh3A_113 = math.tanh %add3A_112 : vector<8x1024xf32>
      %mul3A_114 = arith.mulf %logistic3A_109, %tanh3A_113 : vector<8x1024xf32>
      %mul3A_115 = arith.constant 8 : i32
      %mul3A_116 = arith.muli %scan3A_76, %mul3A_115 : i32
      %swap3A_117 = arith.index_cast %mul3A_116 : i32 to index
      %swap3A_118 = arith.constant 0 : index
      %swap3A_119 = vector.load %arg10[%swap3A_117, %swap3A_118] : memref<256x1024xf32, #tpu.memory_space<vmem>>, vector<8x1024xf32>
      tpu.vector_store %arg10[%swap3A_117, %swap3A_118], %mul3A_114 {strides = array<i32>} : memref<256x1024xf32, #tpu.memory_space<vmem>>, vector<8x1024xf32>,
      %scan3A_120 = arith.constant 1 : i32
      %scan3A_121 = arith.addi %scan3A_76, %scan3A_120 : i32
      %mul3A_122 = arith.constant 8 : i32
      %mul3A_123 = arith.muli %scan3A_121, %mul3A_122 : i32
      %get3A_124 = arith.index_cast %mul3A_123 : i32 to index
      %get3A_125 = arith.constant 0 : index
      %get3A_126 = vector.load %arg9[%get3A_124, %get3A_125] : memref<256x4096xf32, #tpu.memory_space<vmem>>, vector<8x4096xf32>
      %convert_element_type3A_127 = arith.truncf %mul3A_114 : vector<8x1024xf32> to vector<8x1024xbf16>
      %get3A_128 = arith.constant 0 : index
      %get3A_129 = arith.constant 0 : index
      %get3A_130 = vector.load %arg4[%get3A_128, %get3A_129] : memref<4096x1024xbf16, #tpu.memory_space<vmem>>, vector<4096x1024xbf16>
      %dot_general3A_131 = arith.constant dense<0.000000e+00> : vector<8x4096xf32>
      %dot_general3A_132 = tpu.matmul %convert_element_type3A_127, %get3A_130, %dot_general3A_131 {dimension_numbers = #tpu.dot_dimension_numbers<[1], [1], [0], [0], [0, 0, 1, 0], [], []>, transpose_lhs_hint = false} : vector<8x1024xbf16>, vector<4096x1024xbf16>, vector<8x4096xf32> -> vector<8x4096xf32>
      %add3A_133 = arith.addf %get3A_126, %dot_general3A_132 : vector<8x4096xf32>
      %slice3A_134 = vector.extract_strided_slice %add3A_133 {offsets = [0, 0], sizes = [8, 1024], strides = [1, 1]} : vector<8x4096xf32> to vector<8x1024xf32>
      %logistic3A_135 = arith.negf %slice3A_134 : vector<8x1024xf32>
      %logistic3A_136 = math.exp %logistic3A_135 : vector<8x1024xf32>
      %logistic3A_137 = arith.constant 1.000000e+00 : f32
      %logistic3A_138 = vector.broadcast %logistic3A_137 : f32 to vector<8x1024xf32>
      %logistic3A_139 = arith.addf %logistic3A_138, %logistic3A_136 : vector<8x1024xf32>
      %logistic3A_140 = arith.divf %logistic3A_138, %logistic3A_139 : vector<8x1024xf32>
      %slice3A_141 = vector.extract_strided_slice %add3A_133 {offsets = [0, 1024], sizes = [8, 1024], strides = [1, 1]} : vector<8x4096xf32> to vector<8x1024xf32>
      %logistic3A_142 = arith.negf %slice3A_141 : vector<8x1024xf32>
      %logistic3A_143 = math.exp %logistic3A_142 : vector<8x1024xf32>
      %logistic3A_144 = arith.constant 1.000000e+00 : f32
      %logistic3A_145 = vector.broadcast %logistic3A_144 : f32 to vector<8x1024xf32>
      %logistic3A_146 = arith.addf %logistic3A_145, %logistic3A_143 : vector<8x1024xf32>
      %logistic3A_147 = arith.divf %logistic3A_145, %logistic3A_146 : vector<8x1024xf32>
      %slice3A_148 = vector.extract_strided_slice %add3A_133 {offsets = [0, 2048], sizes = [8, 1024], strides = [1, 1]} : vector<8x4096xf32> to vector<8x1024xf32>
      %tanh3A_149 = math.tanh %slice3A_148 : vector<8x1024xf32>
      %slice3A_150 = vector.extract_strided_slice %add3A_133 {offsets = [0, 3072], sizes = [8, 1024], strides = [1, 1]} : vector<8x4096xf32> to vector<8x1024xf32>
      %logistic3A_151 = arith.negf %slice3A_150 : vector<8x1024xf32>
      %logistic3A_152 = math.exp %logistic3A_151 : vector<8x1024xf32>
      %logistic3A_153 = arith.constant 1.000000e+00 : f32
      %logistic3A_154 = vector.broadcast %logistic3A_153 : f32 to vector<8x1024xf32>
      %logistic3A_155 = arith.addf %logistic3A_154, %logistic3A_152 : vector<8x1024xf32>
      %logistic3A_156 = arith.divf %logistic3A_154, %logistic3A_155 : vector<8x1024xf32>
      %mul3A_157 = arith.mulf %logistic3A_147, %add3A_112 : vector<8x1024xf32>
      %mul3A_158 = arith.mulf %logistic3A_140, %tanh3A_149 : vector<8x1024xf32>
      %add3A_159 = arith.addf %mul3A_157, %mul3A_158 : vector<8x1024xf32>
      %tanh3A_160 = math.tanh %add3A_159 : vector<8x1024xf32>
      %mul3A_161 = arith.mulf %logistic3A_156, %tanh3A_160 : vector<8x1024xf32>
      %mul3A_162 = arith.constant 8 : i32
      %mul3A_163 = arith.muli %scan3A_121, %mul3A_162 : i32
      %swap3A_164 = arith.index_cast %mul3A_163 : i32 to index
      %swap3A_165 = arith.constant 0 : index
      %swap3A_166 = vector.load %arg10[%swap3A_164, %swap3A_165] : memref<256x1024xf32, #tpu.memory_space<vmem>>, vector<8x1024xf32>
      tpu.vector_store %arg10[%swap3A_164, %swap3A_165], %mul3A_161 {strides = array<i32>} : memref<256x1024xf32, #tpu.memory_space<vmem>>, vector<8x1024xf32>,
      %scan3A_167 = arith.constant 2 : i32
      %scan3A_168 = arith.addi %scan3A_76, %scan3A_167 : i32
      %mul3A_169 = arith.constant 8 : i32
      %mul3A_170 = arith.muli %scan3A_168, %mul3A_169 : i32
      %get3A_171 = arith.index_cast %mul3A_170 : i32 to index
      %get3A_172 = arith.constant 0 : index
      %get3A_173 = vector.load %arg9[%get3A_171, %get3A_172] : memref<256x4096xf32, #tpu.memory_space<vmem>>, vector<8x4096xf32>
      %convert_element_type3A_174 = arith.truncf %mul3A_161 : vector<8x1024xf32> to vector<8x1024xbf16>
      %get3A_175 = arith.constant 0 : index
      %get3A_176 = arith.constant 0 : index
      %get3A_177 = vector.load %arg4[%get3A_175, %get3A_176] : memref<4096x1024xbf16, #tpu.memory_space<vmem>>, vector<4096x1024xbf16>
      %dot_general3A_178 = arith.constant dense<0.000000e+00> : vector<8x4096xf32>
      %dot_general3A_179 = tpu.matmul %convert_element_type3A_174, %get3A_177, %dot_general3A_178 {dimension_numbers = #tpu.dot_dimension_numbers<[1], [1], [0], [0], [0, 0, 1, 0], [], []>, transpose_lhs_hint = false} : vector<8x1024xbf16>, vector<4096x1024xbf16>, vector<8x4096xf32> -> vector<8x4096xf32>
      %add3A_180 = arith.addf %get3A_173, %dot_general3A_179 : vector<8x4096xf32>
      %slice3A_181 = vector.extract_strided_slice %add3A_180 {offsets = [0, 0], sizes = [8, 1024], strides = [1, 1]} : vector<8x4096xf32> to vector<8x1024xf32>
      %logistic3A_182 = arith.negf %slice3A_181 : vector<8x1024xf32>
      %logistic3A_183 = math.exp %logistic3A_182 : vector<8x1024xf32>
      %logistic3A_184 = arith.constant 1.000000e+00 : f32
      %logistic3A_185 = vector.broadcast %logistic3A_184 : f32 to vector<8x1024xf32>
      %logistic3A_186 = arith.addf %logistic3A_185, %logistic3A_183 : vector<8x1024xf32>
      %logistic3A_187 = arith.divf %logistic3A_185, %logistic3A_186 : vector<8x1024xf32>
      %slice3A_188 = vector.extract_strided_slice %add3A_180 {offsets = [0, 1024], sizes = [8, 1024], strides = [1, 1]} : vector<8x4096xf32> to vector<8x1024xf32>
      %logistic3A_189 = arith.negf %slice3A_188 : vector<8x1024xf32>
      %logistic3A_190 = math.exp %logistic3A_189 : vector<8x1024xf32>
      %logistic3A_191 = arith.constant 1.000000e+00 : f32
      %logistic3A_192 = vector.broadcast %logistic3A_191 : f32 to vector<8x1024xf32>
      %logistic3A_193 = arith.addf %logistic3A_192, %logistic3A_190 : vector<8x1024xf32>
      %logistic3A_194 = arith.divf %logistic3A_192, %logistic3A_193 : vector<8x1024xf32>
      %slice3A_195 = vector.extract_strided_slice %add3A_180 {offsets = [0, 2048], sizes = [8, 1024], strides = [1, 1]} : vector<8x4096xf32> to vector<8x1024xf32>
      %tanh3A_196 = math.tanh %slice3A_195 : vector<8x1024xf32>
      %slice3A_197 = vector.extract_strided_slice %add3A_180 {offsets = [0, 3072], sizes = [8, 1024], strides = [1, 1]} : vector<8x4096xf32> to vector<8x1024xf32>
      %logistic3A_198 = arith.negf %slice3A_197 : vector<8x1024xf32>
      %logistic3A_199 = math.exp %logistic3A_198 : vector<8x1024xf32>
      %logistic3A_200 = arith.constant 1.000000e+00 : f32
      %logistic3A_201 = vector.broadcast %logistic3A_200 : f32 to vector<8x1024xf32>
      %logistic3A_202 = arith.addf %logistic3A_201, %logistic3A_199 : vector<8x1024xf32>
      %logistic3A_203 = arith.divf %logistic3A_201, %logistic3A_202 : vector<8x1024xf32>
      %mul3A_204 = arith.mulf %logistic3A_194, %add3A_159 : vector<8x1024xf32>
      %mul3A_205 = arith.mulf %logistic3A_187, %tanh3A_196 : vector<8x1024xf32>
      %add3A_206 = arith.addf %mul3A_204, %mul3A_205 : vector<8x1024xf32>
      %tanh3A_207 = math.tanh %add3A_206 : vector<8x1024xf32>
      %mul3A_208 = arith.mulf %logistic3A_203, %tanh3A_207 : vector<8x1024xf32>
      %mul3A_209 = arith.constant 8 : i32
      %mul3A_210 = arith.muli %scan3A_168, %mul3A_209 : i32
      %swap3A_211 = arith.index_cast %mul3A_210 : i32 to index
      %swap3A_212 = arith.constant 0 : index
      %swap3A_213 = vector.load %arg10[%swap3A_211, %swap3A_212] : memref<256x1024xf32, #tpu.memory_space<vmem>>, vector<8x1024xf32>
      tpu.vector_store %arg10[%swap3A_211, %swap3A_212], %mul3A_208 {strides = array<i32>} : memref<256x1024xf32, #tpu.memory_space<vmem>>, vector<8x1024xf32>,
      %scan3A_214 = arith.constant 3 : i32
      %scan3A_215 = arith.addi %scan3A_76, %scan3A_214 : i32
      %mul3A_216 = arith.constant 8 : i32
      %mul3A_217 = arith.muli %scan3A_215, %mul3A_216 : i32
      %get3A_218 = arith.index_cast %mul3A_217 : i32 to index
      %get3A_219 = arith.constant 0 : index
      %get3A_220 = vector.load %arg9[%get3A_218, %get3A_219] : memref<256x4096xf32, #tpu.memory_space<vmem>>, vector<8x4096xf32>
      %convert_element_type3A_221 = arith.truncf %mul3A_208 : vector<8x1024xf32> to vector<8x1024xbf16>
      %get3A_222 = arith.constant 0 : index
      %get3A_223 = arith.constant 0 : index
      %get3A_224 = vector.load %arg4[%get3A_222, %get3A_223] : memref<4096x1024xbf16, #tpu.memory_space<vmem>>, vector<4096x1024xbf16>
      %dot_general3A_225 = arith.constant dense<0.000000e+00> : vector<8x4096xf32>
      %dot_general3A_226 = tpu.matmul %convert_element_type3A_221, %get3A_224, %dot_general3A_225 {dimension_numbers = #tpu.dot_dimension_numbers<[1], [1], [0], [0], [0, 0, 1, 0], [], []>, transpose_lhs_hint = false} : vector<8x1024xbf16>, vector<4096x1024xbf16>, vector<8x4096xf32> -> vector<8x4096xf32>
      %add3A_227 = arith.addf %get3A_220, %dot_general3A_226 : vector<8x4096xf32>
      %slice3A_228 = vector.extract_strided_slice %add3A_227 {offsets = [0, 0], sizes = [8, 1024], strides = [1, 1]} : vector<8x4096xf32> to vector<8x1024xf32>
      %logistic3A_229 = arith.negf %slice3A_228 : vector<8x1024xf32>
      %logistic3A_230 = math.exp %logistic3A_229 : vector<8x1024xf32>
      %logistic3A_231 = arith.constant 1.000000e+00 : f32
      %logistic3A_232 = vector.broadcast %logistic3A_231 : f32 to vector<8x1024xf32>
      %logistic3A_233 = arith.addf %logistic3A_232, %logistic3A_230 : vector<8x1024xf32>
      %logistic3A_234 = arith.divf %logistic3A_232, %logistic3A_233 : vector<8x1024xf32>
      %slice3A_235 = vector.extract_strided_slice %add3A_227 {offsets = [0, 1024], sizes = [8, 1024], strides = [1, 1]} : vector<8x4096xf32> to vector<8x1024xf32>
      %logistic3A_236 = arith.negf %slice3A_235 : vector<8x1024xf32>
      %logistic3A_237 = math.exp %logistic3A_236 : vector<8x1024xf32>
      %logistic3A_238 = arith.constant 1.000000e+00 : f32
      %logistic3A_239 = vector.broadcast %logistic3A_238 : f32 to vector<8x1024xf32>
      %logistic3A_240 = arith.addf %logistic3A_239, %logistic3A_237 : vector<8x1024xf32>
      %logistic3A_241 = arith.divf %logistic3A_239, %logistic3A_240 : vector<8x1024xf32>
      %slice3A_242 = vector.extract_strided_slice %add3A_227 {offsets = [0, 2048], sizes = [8, 1024], strides = [1, 1]} : vector<8x4096xf32> to vector<8x1024xf32>
      %tanh3A_243 = math.tanh %slice3A_242 : vector<8x1024xf32>
      %slice3A_244 = vector.extract_strided_slice %add3A_227 {offsets = [0, 3072], sizes = [8, 1024], strides = [1, 1]} : vector<8x4096xf32> to vector<8x1024xf32>
      %logistic3A_245 = arith.negf %slice3A_244 : vector<8x1024xf32>
      %logistic3A_246 = math.exp %logistic3A_245 : vector<8x1024xf32>
      %logistic3A_247 = arith.constant 1.000000e+00 : f32
      %logistic3A_248 = vector.broadcast %logistic3A_247 : f32 to vector<8x1024xf32>
      %logistic3A_249 = arith.addf %logistic3A_248, %logistic3A_246 : vector<8x1024xf32>
      %logistic3A_250 = arith.divf %logistic3A_248, %logistic3A_249 : vector<8x1024xf32>
      %mul3A_251 = arith.mulf %logistic3A_241, %add3A_206 : vector<8x1024xf32>
      %mul3A_252 = arith.mulf %logistic3A_234, %tanh3A_243 : vector<8x1024xf32>
      %add3A_253 = arith.addf %mul3A_251, %mul3A_252 : vector<8x1024xf32>
      %tanh3A_254 = math.tanh %add3A_253 : vector<8x1024xf32>
      %mul3A_255 = arith.mulf %logistic3A_250, %tanh3A_254 : vector<8x1024xf32>
      %mul3A_256 = arith.constant 8 : i32
      %mul3A_257 = arith.muli %scan3A_215, %mul3A_256 : i32
      %swap3A_258 = arith.index_cast %mul3A_257 : i32 to index
      %swap3A_259 = arith.constant 0 : index
      %swap3A_260 = vector.load %arg10[%swap3A_258, %swap3A_259] : memref<256x1024xf32, #tpu.memory_space<vmem>>, vector<8x1024xf32>
      tpu.vector_store %arg10[%swap3A_258, %swap3A_259], %mul3A_255 {strides = array<i32>} : memref<256x1024xf32, #tpu.memory_space<vmem>>, vector<8x1024xf32>,
      scf.yield %mul3A_255, %add3A_253 : vector<8x1024xf32>, vector<8x1024xf32>
    }
    %scan3A_24 = arith.constant 32 : i32
    %swap3A_25 = arith.constant 0 : index
    %swap3A_26 = arith.constant 0 : index
    %swap3A_27 = vector.load %arg11[%swap3A_25, %swap3A_26] : memref<8x1024xf32, #tpu.memory_space<vmem>>, vector<8x1024xf32>
    tpu.vector_store %arg11[%swap3A_25, %swap3A_26], %scan3A_23#0 {strides = array<i32>} : memref<8x1024xf32, #tpu.memory_space<vmem>>, vector<8x1024xf32>,
    %swap3A_28 = arith.constant 0 : index
    %swap3A_29 = arith.constant 0 : index
    %swap3A_30 = vector.load %arg12[%swap3A_28, %swap3A_29] : memref<8x1024xf32, #tpu.memory_space<vmem>>, vector<8x1024xf32>
    tpu.vector_store %arg12[%swap3A_28, %swap3A_29], %scan3A_23#1 {strides = array<i32>} : memref<8x1024xf32, #tpu.memory_space<vmem>>, vector<8x1024xf32>,
    %get3A_31 = arith.constant 0 : index
    %get3A_32 = arith.constant 0 : index
    %get3A_33 = vector.load %arg10[%get3A_31, %get3A_32] : memref<256x1024xf32, #tpu.memory_space<vmem>>, vector<256x1024xf32>
    %get3A_34 = arith.constant 0 : index
    %get3A_35 = arith.constant 0 : index
    %get3A_36 = vector.load %arg6[%get3A_34, %get3A_35] : memref<1000x1024xf32, #tpu.memory_space<vmem>>, vector<1000x1024xf32>
    %dot_general3A_37 = arith.constant dense<0.000000e+00> : vector<256x1000xf32>
    %dot_general3A_38 = tpu.matmul %get3A_33, %get3A_36, %dot_general3A_37 {dimension_numbers = #tpu.dot_dimension_numbers<[1], [1], [0], [0], [0, 0, 1, 0], [], []>, transpose_lhs_hint = false} : vector<256x1024xf32>, vector<1000x1024xf32>, vector<256x1000xf32> -> vector<256x1000xf32>
    %get3A_39 = arith.constant 0 : index
    %get3A_40 = arith.constant 0 : index
    %get3A_41 = vector.load %arg7[%get3A_39, %get3A_40] : memref<1x1000xf32, #tpu.memory_space<vmem>>, vector<1x1000xf32>
    %add3A_42 = vector.broadcast %get3A_41 : vector<1x1000xf32> to vector<256x1000xf32>
    %add3A_43 = arith.addf %dot_general3A_38, %add3A_42 : vector<256x1000xf32>
    %reduce_max3A = arith.constant dense<0xFF800000> : vector<256xf32>
    %reduce_max3A_44 = vector.multi_reduction <maximumf>, %add3A_43, %reduce_max3A [1] : vector<256x1000xf32> to vector<256xf32>
    %broadcast_in_dim3A = vector.shape_cast %reduce_max3A_44 : vector<256xf32> to vector<256x1xf32>
    %sub3A = vector.broadcast %broadcast_in_dim3A : vector<256x1xf32> to vector<256x1000xf32>
    %sub3A_45 = arith.subf %add3A_43, %sub3A : vector<256x1000xf32>
    %exp3A = math.exp %sub3A_45 : vector<256x1000xf32>
    %reduce_sum3A = arith.constant dense<0.000000e+00> : vector<256xf32>
    %reduce_sum3A_46 = vector.multi_reduction <add>, %exp3A, %reduce_sum3A [1] : vector<256x1000xf32> to vector<256xf32>
    %broadcast_in_dim3A_47 = vector.shape_cast %reduce_sum3A_46 : vector<256xf32> to vector<256x1xf32>
    %log3A = math.log %broadcast_in_dim3A_47 : vector<256x1xf32>
    %add3A_48 = arith.addf %broadcast_in_dim3A, %log3A : vector<256x1xf32>
    %iota3A = tpu.iota {dimensions = array<i32: 1>} : vector<256x1000xi32>
    %get3A_49 = arith.constant 0 : index
    %get3A_50 = arith.constant 0 : index
    %get3A_51 = vector.load %arg2[%get3A_49, %get3A_50] : memref<256x1xi32, #tpu.memory_space<vmem>>, vector<256x1xi32>
    %eq3A_52 = vector.broadcast %get3A_51 : vector<256x1xi32> to vector<256x1000xi32>
    %eq3A_53 = arith.cmpi eq, %iota3A, %eq3A_52 : vector<256x1000xi32>
    %jit3A = arith.constant 0.000000e+00 : f32
    %broadcast_in_dim3A_54 = vector.broadcast %jit3A : f32 to vector<256x1000xf32>
    %select_n3A = arith.select %eq3A_53, %add3A_43, %broadcast_in_dim3A_54 : vector<256x1000xi1>, vector<256x1000xf32>
    %reduce_sum3A_55 = arith.constant dense<0.000000e+00> : vector<256xf32>
    %reduce_sum3A_56 = vector.multi_reduction <add>, %select_n3A, %reduce_sum3A_55 [1] : vector<256x1000xf32> to vector<256xf32>
    %broadcast_in_dim3A_57 = vector.shape_cast %reduce_sum3A_56 : vector<256xf32> to vector<256x1xf32>
    %get3A_58 = arith.constant 0 : index
    %get3A_59 = arith.constant 0 : index
    %get3A_60 = vector.load %arg8[%get3A_58, %get3A_59] : memref<1x1xf32, #tpu.memory_space<vmem>>, vector<1x1xf32>
    %sub3A_61 = arith.subf %add3A_48, %broadcast_in_dim3A_57 : vector<256x1xf32>
    %reduce_sum3A_62 = vector.shape_cast %sub3A_61 : vector<256x1xf32> to vector<1x256x1xf32>
    %reduce_sum3A_63 = arith.constant dense<0.000000e+00> : vector<1xf32>
    %reduce_sum3A_64 = vector.multi_reduction <add>, %reduce_sum3A_62, %reduce_sum3A_63 [1, 2] : vector<1x256x1xf32> to vector<1xf32>
    %reduce_sum3A_65 = vector.shape_cast %reduce_sum3A_64 : vector<1xf32> to vector<1x1x1xf32>
    %reduce_sum3A_66 = vector.extract %reduce_sum3A_65[0, 0, 0] : f32 from vector<1x1x1xf32>
    %reshape3A = vector.broadcast %reduce_sum3A_66 : f32 to vector<1x1xf32>
    %add3A_67 = arith.addf %get3A_60, %reshape3A : vector<1x1xf32>
    %swap3A_68 = arith.constant 0 : index
    %swap3A_69 = arith.constant 0 : index
    %swap3A_70 = vector.load %arg8[%swap3A_68, %swap3A_69] : memref<1x1xf32, #tpu.memory_space<vmem>>, vector<1x1xf32>
    tpu.vector_store %arg8[%swap3A_68, %swap3A_69], %add3A_67 {strides = array<i32>} : memref<1x1xf32, #tpu.memory_space<vmem>>, vector<1x1xf32>,
    %eq3A_71 = arith.constant 63 : i32
    %eq3A_72 = arith.cmpi eq, %arg0, %eq3A_71 : i32
    %convert_element_type3A_73 = arith.extui %eq3A_72 : i1 to i32
    %cond3A_74 = arith.constant 0 : i32
    %cond3A_75 = arith.cmpi ne, %convert_element_type3A_73, %cond3A_74 : i32
    scf.if %cond3A_75 {
      %get3A_76 = arith.constant 0 : index
      %get3A_77 = arith.constant 0 : index
      %get3A_78 = vector.load %arg8[%get3A_76, %get3A_77] : memref<1x1xf32, #tpu.memory_space<vmem>>, vector<1x1xf32>
      %div3A = arith.constant 1.638400e+04 : f32
      %div3A_79 = vector.broadcast %div3A : f32 to vector<1x1xf32>
      %div3A_80 = arith.divf %get3A_78, %div3A_79 : vector<1x1xf32>
      %swap3A_81 = arith.constant 0 : index
      %swap3A_82 = arith.constant 0 : index
      %swap3A_83 = vector.load %arg8[%swap3A_81, %swap3A_82] : memref<1x1xf32, #tpu.memory_space<vmem>>, vector<1x1xf32>
      tpu.vector_store %arg8[%swap3A_81, %swap3A_82], %div3A_80 {strides = array<i32>} : memref<1x1xf32, #tpu.memory_space<vmem>>, vector<1x1xf32>,
    } else {
    }
    return
  }
  func.func @transform_0(%arg0: i32) -> (i32, i32) {
    %c0_i32 = arith.constant 0 : i32
    %c0_i32_0 = arith.constant 0 : i32
    return %arg0, %c0_i32 : i32, i32
  }
  func.func @transform_1(%arg0: i32) -> (i32, i32) {
    %c0_i32 = arith.constant 0 : i32
    %c0_i32_0 = arith.constant 0 : i32
    return %arg0, %c0_i32 : i32, i32
  }
  func.func @transform_2(%arg0: i32) -> (i32, i32) {
    %c0_i32 = arith.constant 0 : i32
    %c0_i32_0 = arith.constant 0 : i32
    %c0_i32_1 = arith.constant 0 : i32
    return %c0_i32, %c0_i32_0 : i32, i32
  }
  func.func @transform_3(%arg0: i32) -> (i32, i32) {
    %c0_i32 = arith.constant 0 : i32
    %c0_i32_0 = arith.constant 0 : i32
    %c0_i32_1 = arith.constant 0 : i32
    return %c0_i32, %c0_i32_0 : i32, i32
  }
  func.func @transform_4(%arg0: i32) -> (i32, i32) {
    %c0_i32 = arith.constant 0 : i32
    %c0_i32_0 = arith.constant 0 : i32
    %c0_i32_1 = arith.constant 0 : i32
    return %c0_i32, %c0_i32_0 : i32, i32
  }
  func.func @transform_5(%arg0: i32) -> (i32, i32) {
    %c0_i32 = arith.constant 0 : i32
    %c0_i32_0 = arith.constant 0 : i32
    %c0_i32_1 = arith.constant 0 : i32
    return %c0_i32, %c0_i32_0 : i32, i32
  }
  func.func @transform_6(%arg0: i32) -> (i32, i32) {
    %c0_i32 = arith.constant 0 : i32
    %c0_i32_0 = arith.constant 0 : i32
    %c0_i32_1 = arith.constant 0 : i32
    return %c0_i32, %c0_i32_0 : i32, i32
  }
  func.func @transform_7(%arg0: i32) -> (i32, i32) {
    %c0_i32 = arith.constant 0 : i32
    %c0_i32_0 = arith.constant 0 : i32
    %c0_i32_1 = arith.constant 0 : i32
    return %c0_i32, %c0_i32_0 : i32, i32
  }
}

</mosaic_0001>

<sc_bundles>
// kernel: kernel.4.cloned.1.call-start
scs
__scs_entry_jumppad:
0x0: {  	(pc) =	sbr.rel $0x88, $3  }
0x1: {  	(tag) =	ssettag $0x0;
	lr =	simm.s32 $0x1  }
0x2: {  	[smem:$0x3F98] =	sst lr;
	_ =	strace $0xD0000000  }
0x3: {  	_ = 	snop  }
0x4: {  	_ = 	snop  }
0x5: {  	_ = 	snop  }
0x6: {  	_ = 	snop  }
0x7: {  	_ = 	snop  }
__scs_overlays_trampoline_lowered:
0x8: {  	[smem:$0x3FA7] =	sst s0  }
0x9: {  	[smem:$0x3FA8] =	sst s1  }
0xa: {  	[smem:$0x3FA9] =	sst s2  }
0xb: {  	[smem:$0x3FAA] =	sst s3  }
0xc: {  	[smem:$0x3FAB] =	sst s4  }
0xd: {  	[smem:$0x3FAC] =	sst s5  }
0xe: {  	[smem:$0x3FAD] =	sst s6  }
0xf: {  	[smem:$0x3FAE] =	sst s7  }
0x10: {  	[smem:$0x3FAF] =	sst s8  }
0x11: {  	[smem:$0x3FB0] =	sst s9;
	s0 =	simm.s32 @!p0 $0x0  }
0x12: {  	s1 =	sld [smem:$0x3F96];
	s0 =	simm.s32 @p0 $0x1  }
0x13: {  	[smem:$0x3FB1] =	sst s0;
	s0 =	simm.s32 @!p1 $0x0  }
0x14: {  	s2 =	sld [smem:$0x3F95];
	s0 =	simm.s32 @p1 $0x1  }
0x15: {  	[smem:$0x3FB2] =	sst s0;
	s0 =	simm.s32 @!p2 $0x0  }
0x16: {  	s3 =	sld [smem:$0x3FDB];
	s0 =	simm.s32 @p2 $0x1  }
0x17: {  	s4 =	simm.s32 $0x1BF5;
	[smem:$0x3FB4] =	sst s0  }
0x18: {  	s0 =	sld [smem:$0x3F97];
	_ =	swait.ge [sflag:s4], $0x0  }
0x19: {  	s7 =	sld [smem:$0x3F98]  }
0x1a: {  	s8 =	sadd.s32 $0xFFFFE003, lr  }
0x1b: {  	s9 =	sadd.s32 $0xFFFFFEF7, lr;
	s5 =	simm.s32 $0xFFFFFFFF;
	p2 =	slt.u32 s8, $0xFFFFF086  }
0x1c: {  	p1 =	slt.u32 s9, $0xF7A;
	s5 =	simm.s32 @!p2 $0x0  }
0x1d: {  	s5 =	simm.s32 @p1 $0x1;
	p0 =	seq.s32 s7, s2  }
0x1e: {  	s7 =	smul.u32 @!p0 $0xF7A, s2;
	p2 =	seq.s32 @!p0 s5, $0x0  }
0x1f: {  	s9 =	smul.u32 $0xF7A, s1;
	s8 =	simm.s32 @!p0 $0x1BF5;
	p2 =	por !p2, p0  }
0x20: {  	[sflag:s8] =	ssyncset.s32 @!p0 $0xFFFFF086;
	s6 =	sadd.s32 @!p0 s3, s7;
	s7 =	simm.s32 @!p0 $0x108  }
0x21: {  	s3 =	sadd.s32 s3, s9;
	s6 =	sadd.s32 @!p0 $0x88, s6;
	s7 =	simm.s32 @p2 $0x1082  }
0x22: {  	[simem:s7], [sflag:s8] =	dma.local @!p0 [hbm:s6], $0xF7A  }
0x23: {  	s9 =	sor.u32 $0xD0000000, s2;
	s6 =	simm.s32 $0x108;
	_ =	swait.ge @!p0 [sflag:s8], $0x0  }
0x24: {  	s3 =	sadd.s32 $0x88, s3;
	s6 =	simm.s32 @!p1 $0x1082;
	[sflag:s4] =	ssyncset.s32 $0xFFFFF086  }
0x25: {  	[simem:s6], [sflag:s4] =	dma.local [hbm:s3], $0xF7A  }
0x26: {  	[smem:$0x3F98] =	sst s1;
	(tag) =	ssettag s2;
	_ =	strace s9  }
0x27: {  	s1 =	sld [smem:$0x3FA8]  }
0x28: {  	s2 =	sld [smem:$0x3FA9]  }
0x29: {  	s4 =	sld [smem:$0x3FAB]  }
0x2a: {  	p0 =	seq.s32 s5, $0x0;
	s5 =	sld [smem:$0x3FAC]  }
0x2b: {  	s6 =	sld [smem:$0x3FAD]  }
0x2c: {  	s7 =	sld [smem:$0x3FAE]  }
0x2d: {  	s3 =	simm.s32 $0x108;
	s8 =	sld [smem:$0x3FAF]  }
0x2e: {  	s3 =	simm.s32 @!p0 $0x1082;
	s9 =	sld [smem:$0x3FB0]  }
0x2f: {  	lr =	sadd.s32 s0, s3;
	s0 =	sld [smem:$0x3FA7]  }
0x30: {  	s3 =	sld [smem:$0x3FAA]  }
0x31: {  	[smem:$0x3FB3] =	sst s10  }
0x32: {  	s10 =	sld [smem:$0x3FB1];
	_ =	sdelay $0x3  }
0x33: {  	p0 =	seq.s32 s10, $0x1;
	s10 =	sld [smem:$0x3FB3];
	_ =	sdelay $0x3  }
0x34: {  	[smem:$0x3FB3] =	sst s10  }
0x35: {  	s10 =	sld [smem:$0x3FB2];
	_ =	sdelay $0x3  }
0x36: {  	p1 =	seq.s32 s10, $0x1;
	s10 =	sld [smem:$0x3FB3];
	_ =	sdelay $0x3  }
0x37: {  	[smem:$0x3FB3] =	sst s10  }
0x38: {  	s10 =	sld [smem:$0x3FB4]  }
0x39: {  	_ = 	snop;
	(pc) =	sbr.ind lr, $3  }
0x3a: {  	_ = 	snop  }
0x3b: {  	_ = 	snop  }
0x3c: {  	p2 =	seq.s32 s10, $0x1;
	s10 =	sld [smem:$0x3FB3]  }
0x3d: {  	_ =	shalt  }
0x3e: {  	_ =	shalt  }
0x3f: {  	_ =	shalt  }
0x40: {  	_ =	shalt  }
0x41: {  	_ =	shalt  }
0x42: {  	_ =	shalt  }
0x43: {  	_ =	shalt  }
0x44: {  	_ =	shalt  }
0x45: {  	_ =	shalt  }
0x46: {  	_ =	shalt  }
0x47: {  	_ =	shalt  }
0x48: {  	_ =	shalt  }
0x49: {  	_ =	shalt  }
0x4a: {  	_ =	shalt  }
0x4b: {  	_ =	shalt  }
0x4c: {  	_ =	shalt  }
0x4d: {  	_ =	shalt  }
0x4e: {  	_ =	shalt  }
0x4f: {  	_ =	shalt  }
0x50: {  	_ =	shalt  }
0x51: {  	_ =	shalt  }
0x52: {  	_ =	shalt  }
0x53: {  	_ =	shalt  }
0x54: {  	_ =	shalt  }
0x55: {  	_ =	shalt  }
0x56: {  	_ =	shalt  }
0x57: {  	_ =	shalt  }
0x58: {  	_ =	shalt  }
0x59: {  	_ =	shalt  }
0x5a: {  	_ =	shalt  }
0x5b: {  	_ =	shalt  }
0x5c: {  	_ =	shalt  }
0x5d: {  	_ =	shalt  }
0x5e: {  	_ =	shalt  }
0x5f: {  	_ =	shalt  }
0x60: {  	_ =	shalt  }
0x61: {  	_ =	shalt  }
0x62: {  	_ =	shalt  }
0x63: {  	_ =	shalt  }
0x64: {  	_ =	shalt  }
0x65: {  	_ =	shalt  }
0x66: {  	_ =	shalt  }
0x67: {  	_ =	shalt  }
0x68: {  	_ =	shalt  }
0x69: {  	_ =	shalt  }
0x6a: {  	_ =	shalt  }
0x6b: {  	_ =	shalt  }
0x6c: {  	_ =	shalt  }
0x6d: {  	_ =	shalt  }
0x6e: {  	_ =	shalt  }
0x6f: {  	_ =	shalt  }
0x70: {  	_ =	shalt  }
0x71: {  	_ =	shalt  }
0x72: {  	_ =	shalt  }
0x73: {  	_ =	shalt  }
0x74: {  	_ =	shalt  }
0x75: {  	_ =	shalt  }
0x76: {  	_ =	shalt  }
0x77: {  	_ =	shalt  }
0x78: {  	_ =	shalt  }
0x79: {  	_ =	shalt  }
0x7a: {  	_ =	shalt  }
0x7b: {  	_ =	shalt  }
0x7c: {  	_ =	shalt  }
0x7d: {  	_ =	shalt  }
0x7e: {  	_ =	shalt  }
0x7f: {  	_ =	shalt  }
0x80: {  	_ =	shalt  }
0x81: {  	_ =	shalt  }
0x82: {  	_ =	shalt  }
0x83: {  	_ =	shalt  }
0x84: {  	_ =	shalt  }
0x85: {  	_ =	shalt  }
0x86: {  	_ =	shalt  }
0x87: {  	_ =	shalt  }
.Lfunc_end0:
.L_simem_size_0:
called_computation_lowered:
.L_overlay_start_0:
0x88: {  	s2 =	sld [smem:$0x3FD9]  }
0x89: {  	s3 =	sld [smem:$0x3FFE];
	_ =	sdelay $0x1  }
0x8a: {  	s1 =	srdreg.scid  }
0x8b: {  	s0 =	sand.u32 $0x1, s1  }
0x8c: {  	s17 =	sshll.u32 s0, $0xA;
	s2 =	sadd.s32 s3, s2  }
0x8d: {  	s2 =	sadd.s32 s2, s17  }
0x8e: {  	[smem:$0x3FBF] =	sst s2  }
0x8f: {  	_ = 	snop  }
0x90: {  	s2 =	sld [smem:$0x3FC7];
	(tm) =	ssettm $0x1  }
0x91: {  	s18 =	sld [smem:$0x3FFB];
	_ =	sdelay $0x3  }
0x92: {  	_ =	strace s18  }
0x93: {  	s3 =	sld [smem:$0x3FFC];
	_ =	sdelay $0x3  }
0x94: {  	_ =	strace s3  }
0x95: {  	s3 =	sld [smem:$0x3FFD];
	_ =	sdelay $0x3  }
0x96: {  	_ =	strace s3  }
0x97: {  	_ =	strace $0x8FFFFFFF  }
0x98: {  	s19 =	sld [smem:$0x3FDB];
	_ =	sdelay $0x1  }
0x99: {  	s4 =	simm.s32 $_scs_section_size  }
0x9a: {  	s5 =	simm.s32 $_size__tile_overlayer_lowered;
	s6 =	simm.s32 $_tile_overlayer_lowered  }
0x9b: {  	s22 =	simm.s32 $0x1BFF;
	s21 =	sshll.u32 s6, $0x1;
	s3 =	sadd.s32 s4, s19  }
0x9c: {  	s7 =	simm.s32 $0x0;
	s20 =	sshll.u32 s5, $0x1;
	s5 =	sadd.s32 s21, s3  }
0x9d: {  	[timem:s7], [sflag:s22] =	dma.local [hbm:s5], s20  }
0x9e: {  	_ =	swait.ge [sflag:s22], s20  }
0x9f: {  	s4 =	ssub.s32 $0x0, s20;
	[sflag:s22] =	ssyncset.done $0x0  }
0xa0: {  	[sflag:s22] =	ssyncadd.s32 s4;
	_ =	sdelay $0x1  }
0xa1: {  	s23 =	simm.s32 $0x1B8B  }
0xa2: {  	_ =	swait.ge [sflag:s23], $0x1  }
0xa3: {  	[sflag:s23] =	ssyncset.done $0x0  }
0xa4: {  	s25 =	simm.s32 $0x1B8E;
	s24 =	sld [smem:$0x3FFE];
	[sflag:s23] =	ssyncadd.s32 $0xFFFFFFFF  }
0xa5: {  	s26 =	simm.s32 $execute0_lowered;
	[smem:$0x3FD2] =	sst s25  }
0xa6: {  	s5 =	sshll.u32 s26, $0x1;
	_ =	strace $0x80000046;
	[dreg:$0x1] =	wrdreg $0xFFFFFFFF  }
0xa7: {  	s28 =	simm.s32 $_size_execute0_lowered;
	s3 =	sadd.s32 s3, s5;
	[dreg:$0x0] =	wrdreg $0x0  }
0xa8: {  	s5 =	sshll.u32 s28, $0x1;
	[dreg:$0x2] =	wrdreg s3  }
0xa9: {  	[dreg:$0x3] =	wrdreg s5  }
0xaa: {  	[dreg:$0x4] =	wrdreg $0xC0  }
0xab: {  	_ =	task [dreg:s7], $0x5FFFF  }
0xac: {  	[dreg:$0x1] =	wrdreg $0xFFFFFFFF  }
0xad: {  	[dreg:$0x0] =	wrdreg $0x60  }
0xae: {  	[dreg:$0x2] =	wrdreg s2  }
0xaf: {  	[dreg:$0x3] =	wrdreg s24  }
0xb0: {  	[dreg:$0x4] =	wrdreg $0x9  }
0xb1: {  	_ =	task.clear_ibuf [dreg:s7], $0x5FFFF;
	_ =	strace $0x90000046  }
0xb2: {  	s29 =	simm.s32 $0x9;
	_ =	strace $0x80000048  }
0xb3: {  	_ =	swait.ge [sflag:s29], $0x1  }
0xb4: {  	[sflag:s29] =	ssyncadd.s32 $0xFFFFFFFF  }
0xb5: {  	_ =	strace $0x90000048  }
0xb6: {  	_ =	sfence  }
0xb7: {  	s30 =	sld [smem:$0x0];
	_ =	sdelay $0x2  }
0xb8: {  	s31 =	sshll.u32 s1, $0xD;
	s1 =	sshrl.u32 s1, $0x2  }
0xb9: {  	s3 =	sand.u32 $0x4000, s31;
	s1 =	sadd.s32 s1, s30  }
0xba: {  	s0 =	sor.u32 s3, s0;
	s1 =	sshll.u32 s1, $0x11  }
0xbb: {  	s0 =	sor.u32 s1, s0  }
0xbc: {  	s0 =	sadd.s32 $0x8F2B, s0  }
0xbd: {  	[sflag:s0] =	ssyncadd.remote.s32 $0x1  }
0xbe: {  	_ =	sfence.sel $0xFFFF  }
0xbf: {  	[dreg:$0x0] =	wrdreg $0xFFFFFFFF;
	(pc) =	sbr.abs _section_cstart, $3  }
0xc0: {  	[dreg:$0x1] =	wrdreg $0xFFFFFFFF  }
0xc1: {  	_ =	task.clear_ibuf [dreg:s7], $0x2FFFF;
	_ =	strace $0x9FFFFFFF  }
0xc2: {  	(tm) =	ssettm $0x7FFFFFFF  }
0xc3: {  	_ =	shalt  }
tec
execute0_lowered:
.L_overlay_start_1:
0x0: {  	(tag) =	ssettag $0x1  }
0x1: {  	s0 =	srdreg.scid;
	s2 =	rddreg [dreg:$0x0]  }
0x2: {  	s5 =	stileid.u32;
	s4 =	rddreg [dreg:$0x1];
	s12 =	simm.s32 $0x880  }
0x3: {  	s14 =	simm.s32 $0x1080;
	s16 =	simm.s32 $0x1880;
	s17 =	simm.s32 $0x2080  }
0x4: {  	s18 =	simm.s32 $0x2880;
	s19 =	simm.s32 $0x3080;
	s0 =	sand.u32 $0x1, s0  }
0x5: {  	s20 =	simm.s32 $0x3880;
	s1 =	sshll.u32 s5, $0xA;
	s3 =	sshll.u32 s0, $0x9  }
0x6: {  	s21 =	simm.s32 $0x4080;
	s1 =	sor.u32 s3, s1;
	s3 =	simm.s32 $0x0  }
0x7: {  	s22 =	simm.s32 $0x4880;
	s23 =	simm.s32 $0x5080;
	[smem:$0x7FF] =	sst s3  }
0x8: {  	s24 =	simm.s32 $0x5880;
	_ =	strace $0x80000047;
	[dreg:$0x4] =	wrdreg s12  }
0x9: {  	s9 =	simm.s32 $0x2;
	s25 =	simm.s32 $0x6080;
	[dreg:$0x5] =	wrdreg s14  }
0xa: {  	s10 =	simm.s32 $0x80;
	s26 =	simm.s32 $0x6880;
	[dreg:$0x6] =	wrdreg s16  }
0xb: {  	s11 =	simm.s32 $0x7080;
	s28 =	simm.s32 $0xF080;
	[dreg:$0x7] =	wrdreg s17  }
0xc: {  	s29 =	simm.s32 $0xF880;
	s5 =	sshll.u32 s5, $0x11;
	[dreg:$0x8] =	wrdreg s18  }
0xd: {  	s30 =	simm.s32 $0x1;
	s8 =	sadd.s32 s5, s4;
	[dreg:$0x9] =	wrdreg s19  }
0xe: {  	s13 =	ssub.s32 $0x2, s0;
	s0 =	sshll.u32 s0, $0x10;
	[dreg:$0xa] =	wrdreg s20  }
0xf: {  	s31 =	simm.s32 $0x0;
	s0 =	sadd.s32 s0, s8;
	[dreg:$0xb] =	wrdreg s21  }
0x10: {  	s6 =	sadd.s32 $0x300, s2;
	s0 =	sadd.s32 $0x1600, s0;
	[dreg:$0xc] =	wrdreg s22  }
0x11: {  	s5 =	sadd.s32 $0x200, s2;
	s15 =	sshrl.u32 s13, $0x1;
	[dreg:$0x12] =	wrdreg s0  }
0x12: {  	s1 =	sshrl.u32 s1, $0x3;
	s7 =	ssub.s32 s13, s15;
	[dreg:$0xd] =	wrdreg s23  }
0x13: {  	s13 =	simm.s32 $0x8080;
	s15 =	simm.s32 $0x9080;
	[dreg:$0xe] =	wrdreg s24  }
0x14: {  	s1 =	sadd.s32 s1, s4;
	s4 =	sadd.s32 $0x100, s2;
	[dreg:$0xf] =	wrdreg s25  }
0x15: {  	s7 =	smax.u32 s7, $0x1;
	[dreg:$0x10] =	wrdreg s26;
	s12 =	simm.s32 $0x7880  }
0x16: {  	s14 =	simm.s32 $0x8880;
	s16 =	simm.s32 $0x9880;
	s17 =	simm.s32 $0xA080  }
0x17: {  	s18 =	simm.s32 $0xA880;
	s19 =	simm.s32 $0xB080;
	s20 =	simm.s32 $0xB880  }
0x18: {  	v2 =	vlaneseq.u32;
	s21 =	simm.s32 $0xC080;
	s22 =	simm.s32 $0xC880;
	s23 =	simm.s32 $0xD080  }
0x19: {  	vm0 =	vmmov $0xffff;
	v1 =	vshrl.u32 v2, $0x3;
	s24 =	simm.s32 $0xD880;
	s1 =	sadd.s32 $0xE00, s1;
	[dreg:$0x11] =	wrdreg s7  }
0x1a: {  	v0 =	vand.u32 $0x7, v2;
	v2 =	vor.u32 $0x8, v2;
	v1 =	vmul.u32 $0x8, v1;
	s25 =	simm.s32 $0xE080;
	s26 =	simm.s32 $0xE880;
	[dreg:$0x3] =	wrdreg s1  }
.LBB2_1:
0x1b: {  	s8 =	rddreg [dreg:$0x12];
	s0 =	simm.s32 $0x0  }
.LBB2_2:
0x1c: {  	s7 =	rddreg [dreg:$0x3]  }
0x1d: {  	s7 =	sadd.s32 s0, s7  }
0x1e: {  	[tilespmem:s3], [sflag:$0x2] =	stream.linear.gather [hbm4b:s7+s3], $0x40, $0x38;
	[tilespmem:$0x10080] =	vst v63  }
0x1f: {  	_ =	swait.ge [sflag:s9], $0x40  }
0x20: {  	[sflag:s9] =	ssyncset.done $0x0  }
0x21: {  	[sflag:s9] =	ssyncadd.s32 $0xFFFFFFC0  }
0x22: {  	v3 =	vld [tilespmem:$0x0];
	_ =	sdelay $0x4  }
0x23: {  	v4 =	vshll.u32 v3, $0x3  }
0x24: {  	v3 =	vand.u32 $0x7, v3;
	v4 =	vand.u32 $0xFFFFFFC0, v4  }
0x25: {  	v3 =	vor.u32 v3, v4  }
0x26: {  	v4 =	vperm.xlane v3, v0;
	_ =	sdelay $0x1  }
0x27: {  	v4 =	vadd.s32 v1, v4;
	_ =	sdelay $0x4  }
0x28: {  	[tilespmem:s10], [sflag:$0x1] =	stream.indirect_vreg.gather [hbm4b:s2+s3], $0x80, v4, vm0, $0xb8;
	[tilespmem:$0x10080] =	vst v63  }
0x29: {  	s7 =	rddreg [dreg:$0x4];
	v3 =	vperm.xlane v3, v2  }
0x2a: {  	[tilespmem:s7], [sflag:$0x1] =	stream.indirect_vreg.gather [hbm4b:s4+s3], $0x80, v4, vm0, $0xb8;
	[tilespmem:$0x10080] =	vst v63  }
0x2b: {  	s1 =	rddreg [dreg:$0x5];
	v3 =	vadd.s32 v1, v3  }
0x2c: {  	[tilespmem:s1], [sflag:$0x1] =	stream.indirect_vreg.gather [hbm4b:s5+s3], $0x80, v4, vm0, $0xb8;
	[tilespmem:$0x10080] =	vst v63  }
0x2d: {  	s7 =	rddreg [dreg:$0x6]  }
0x2e: {  	[tilespmem:s7], [sflag:$0x1] =	stream.indirect_vreg.gather [hbm4b:s6+s3], $0x80, v4, vm0, $0xb8;
	[tilespmem:$0x10080] =	vst v63  }
0x2f: {  	s1 =	rddreg [dreg:$0x7]  }
0x30: {  	[tilespmem:s1], [sflag:$0x1] =	stream.indirect_vreg.gather [hbm4b:s2+s3], $0x80, v3, vm0, $0xb8;
	[tilespmem:$0x10080] =	vst v63  }
0x31: {  	s7 =	rddreg [dreg:$0x8]  }
0x32: {  	[tilespmem:s7], [sflag:$0x1] =	stream.indirect_vreg.gather [hbm4b:s4+s3], $0x80, v3, vm0, $0xb8;
	[tilespmem:$0x10080] =	vst v63  }
0x33: {  	s1 =	rddreg [dreg:$0x9]  }
0x34: {  	[tilespmem:s1], [sflag:$0x1] =	stream.indirect_vreg.gather [hbm4b:s5+s3], $0x80, v3, vm0, $0xb8;
	[tilespmem:$0x10080] =	vst v63  }
0x35: {  	s7 =	rddreg [dreg:$0xa]  }
0x36: {  	[tilespmem:s7], [sflag:$0x1] =	stream.indirect_vreg.gather [hbm4b:s6+s3], $0x80, v3, vm0, $0xb8;
	[tilespmem:$0x10080] =	vst v63  }
0x37: {  	v3 =	vld [tilespmem:$0x10];
	_ =	sdelay $0x4  }
0x38: {  	v61 =	vshll.u32 v3, $0x3  }
0x39: {  	v3 =	vand.u32 $0x7, v3;
	v4 =	vand.u32 $0xFFFFFFC0, v61  }
0x3a: {  	v3 =	vor.u32 v3, v4  }
0x3b: {  	v4 =	vperm.xlane v3, v0;
	_ =	sdelay $0x1  }
0x3c: {  	v4 =	vadd.s32 v1, v4;
	_ =	sdelay $0x3  }
0x3d: {  	s1 =	rddreg [dreg:$0xb]  }
0x3e: {  	[tilespmem:s1], [sflag:$0x1] =	stream.indirect_vreg.gather [hbm4b:s2+s3], $0x80, v4, vm0, $0xb8;
	[tilespmem:$0x10080] =	vst v63  }
0x3f: {  	s7 =	rddreg [dreg:$0xc];
	v3 =	vperm.xlane v3, v2  }
0x40: {  	[tilespmem:s7], [sflag:$0x1] =	stream.indirect_vreg.gather [hbm4b:s4+s3], $0x80, v4, vm0, $0xb8;
	[tilespmem:$0x10080] =	vst v63  }
0x41: {  	v3 =	vadd.s32 v1, v3;
	s1 =	rddreg [dreg:$0xd]  }
0x42: {  	[tilespmem:s1], [sflag:$0x1] =	stream.indirect_vreg.gather [hbm4b:s5+s3], $0x80, v4, vm0, $0xb8;
	[tilespmem:$0x10080] =	vst v63  }
0x43: {  	s7 =	rddreg [dreg:$0xe]  }
0x44: {  	[tilespmem:s7], [sflag:$0x1] =	stream.indirect_vreg.gather [hbm4b:s6+s3], $0x80, v4, vm0, $0xb8;
	[tilespmem:$0x10080] =	vst v63  }
0x45: {  	s1 =	rddreg [dreg:$0xf]  }
0x46: {  	[tilespmem:s1], [sflag:$0x1] =	stream.indirect_vreg.gather [hbm4b:s2+s3], $0x80, v3, vm0, $0xb8;
	[tilespmem:$0x10080] =	vst v63  }
0x47: {  	s7 =	rddreg [dreg:$0x10]  }
0x48: {  	[tilespmem:s7], [sflag:$0x1] =	stream.indirect_vreg.gather [hbm4b:s4+s3], $0x80, v3, vm0, $0xb8;
	[tilespmem:$0x10080] =	vst v63  }
0x49: {  	_ = 	snop  }
0x4a: {  	[tilespmem:s11], [sflag:$0x1] =	stream.indirect_vreg.gather [hbm4b:s5+s3], $0x80, v3, vm0, $0xb8;
	[tilespmem:$0x10080] =	vst v63  }
0x4b: {  	_ = 	snop  }
0x4c: {  	[tilespmem:s12], [sflag:$0x1] =	stream.indirect_vreg.gather [hbm4b:s6+s3], $0x80, v3, vm0, $0xb8;
	[tilespmem:$0x10080] =	vst v63  }
0x4d: {  	v3 =	vld [tilespmem:$0x20];
	_ =	sdelay $0x4  }
0x4e: {  	v62 =	vshll.u32 v3, $0x3  }
0x4f: {  	v3 =	vand.u32 $0x7, v3;
	v4 =	vand.u32 $0xFFFFFFC0, v62  }
0x50: {  	v3 =	vor.u32 v3, v4  }
0x51: {  	v4 =	vperm.xlane v3, v0;
	_ =	sdelay $0x1  }
0x52: {  	v4 =	vadd.s32 v1, v4;
	_ =	sdelay $0x4  }
0x53: {  	[tilespmem:s13], [sflag:$0x1] =	stream.indirect_vreg.gather [hbm4b:s2+s3], $0x80, v4, vm0, $0xb8;
	[tilespmem:$0x10080] =	vst v63  }
0x54: {  	v3 =	vperm.xlane v3, v2  }
0x55: {  	[tilespmem:s14], [sflag:$0x1] =	stream.indirect_vreg.gather [hbm4b:s4+s3], $0x80, v4, vm0, $0xb8;
	[tilespmem:$0x10080] =	vst v63  }
0x56: {  	v3 =	vadd.s32 v1, v3  }
0x57: {  	[tilespmem:s15], [sflag:$0x1] =	stream.indirect_vreg.gather [hbm4b:s5+s3], $0x80, v4, vm0, $0xb8;
	[tilespmem:$0x10080] =	vst v63  }
0x58: {  	_ = 	snop  }
0x59: {  	[tilespmem:s16], [sflag:$0x1] =	stream.indirect_vreg.gather [hbm4b:s6+s3], $0x80, v4, vm0, $0xb8;
	[tilespmem:$0x10080] =	vst v63  }
0x5a: {  	_ = 	snop  }
0x5b: {  	[tilespmem:s17], [sflag:$0x1] =	stream.indirect_vreg.gather [hbm4b:s2+s3], $0x80, v3, vm0, $0xb8;
	[tilespmem:$0x10080] =	vst v63  }
0x5c: {  	_ = 	snop  }
0x5d: {  	[tilespmem:s18], [sflag:$0x1] =	stream.indirect_vreg.gather [hbm4b:s4+s3], $0x80, v3, vm0, $0xb8;
	[tilespmem:$0x10080] =	vst v63  }
0x5e: {  	_ = 	snop  }
0x5f: {  	[tilespmem:s19], [sflag:$0x1] =	stream.indirect_vreg.gather [hbm4b:s5+s3], $0x80, v3, vm0, $0xb8;
	[tilespmem:$0x10080] =	vst v63  }
0x60: {  	_ = 	snop  }
0x61: {  	[tilespmem:s20], [sflag:$0x1] =	stream.indirect_vreg.gather [hbm4b:s6+s3], $0x80, v3, vm0, $0xb8;
	[tilespmem:$0x10080] =	vst v63  }
0x62: {  	v3 =	vld [tilespmem:$0x30];
	_ =	sdelay $0x4  }
0x63: {  	v63 =	vshll.u32 v3, $0x3  }
0x64: {  	v3 =	vand.u32 $0x7, v3;
	v4 =	vand.u32 $0xFFFFFFC0, v63  }
0x65: {  	v3 =	vor.u32 v3, v4  }
0x66: {  	v4 =	vperm.xlane v3, v0;
	_ =	sdelay $0x1  }
0x67: {  	v4 =	vadd.s32 v1, v4;
	_ =	sdelay $0x4  }
0x68: {  	[tilespmem:s21], [sflag:$0x1] =	stream.indirect_vreg.gather [hbm4b:s2+s3], $0x80, v4, vm0, $0xb8;
	[tilespmem:$0x10080] =	vst v63  }
0x69: {  	v3 =	vperm.xlane v3, v2  }
0x6a: {  	[tilespmem:s22], [sflag:$0x1] =	stream.indirect_vreg.gather [hbm4b:s4+s3], $0x80, v4, vm0, $0xb8;
	[tilespmem:$0x10080] =	vst v63  }
0x6b: {  	v3 =	vadd.s32 v1, v3  }
0x6c: {  	[tilespmem:s23], [sflag:$0x1] =	stream.indirect_vreg.gather [hbm4b:s5+s3], $0x80, v4, vm0, $0xb8;
	[tilespmem:$0x10080] =	vst v63  }
0x6d: {  	_ = 	snop  }
0x6e: {  	[tilespmem:s24], [sflag:$0x1] =	stream.indirect_vreg.gather [hbm4b:s6+s3], $0x80, v4, vm0, $0xb8;
	[tilespmem:$0x10080] =	vst v63  }
0x6f: {  	_ = 	snop  }
0x70: {  	[tilespmem:s25], [sflag:$0x1] =	stream.indirect_vreg.gather [hbm4b:s2+s3], $0x80, v3, vm0, $0xb8;
	[tilespmem:$0x10080] =	vst v63  }
0x71: {  	_ = 	snop  }
0x72: {  	[tilespmem:s26], [sflag:$0x1] =	stream.indirect_vreg.gather [hbm4b:s4+s3], $0x80, v3, vm0, $0xb8;
	[tilespmem:$0x10080] =	vst v63  }
0x73: {  	_ = 	snop  }
0x74: {  	[tilespmem:s28], [sflag:$0x1] =	stream.indirect_vreg.gather [hbm4b:s5+s3], $0x80, v3, vm0, $0xb8;
	[tilespmem:$0x10080] =	vst v63  }
0x75: {  	_ = 	snop  }
0x76: {  	[tilespmem:s29], [sflag:$0x1] =	stream.indirect_vreg.gather [hbm4b:s6+s3], $0x80, v3, vm0, $0xb8;
	[tilespmem:$0x10080] =	vst v63  }
0x77: {  	_ =	swait.ge [sflag:s30], $0x10000  }
0x78: {  	p0 =	sne.s32 s0, $0x38;
	[sflag:s30] =	ssyncset.done $0x0  }
.Ltmp0:
0x79: {  	[sflag:s30] =	ssyncadd.s32 $0xFFFF0000;
	(pc) =	sbr.rel @p0 .LBB2_2-.Ltmp0, $4  }
0x7a: {  	[hbm4b:s8+s3] =	stream.linear.scatter [tilespmem:s10], [sflag:$0x2], $0x10000, $0x38;
	[tilespmem:$0x10080] =	vst v63  }
0x7b: {  	_ =	swait.ge [sflag:s9], $0x10000  }
0x7c: {  	[sflag:s9] =	ssyncset.done $0x0  }
0x7d: {  	s0 =	sadd.s32 $0x8, s0;
	s8 =	sadd.s32 $0x2000, s8;
	[sflag:s9] =	ssyncadd.s32 $0xFFFF0000  }
0x7e: {  	s31 =	sadd.s32 $0x1, s31;
	s0 =	rddreg [dreg:$0x11]  }
0x7f: {  	p0 =	sne.s32 s31, s0  }
.Ltmp1:
0x80: {  	_ = 	snop;
	(pc) =	sbr.rel @p0 .LBB2_1-.Ltmp1, $1  }
0x81: {  	_ =	sdelay $0x3  }
0x82: {  	_ =	sfence.sel $0x180000  }
0x83: {  	[bflag:$0x0] =	sbarrier.arrive $0xFFFF  }
0x84: {  	_ =	strace $0x90000047  }
0x85: {  	s0 =	stileid.u32;
	[bflag:$0x2] =	sbarrier.arrive $0xFFFF  }
0x86: {  	p0 =	sne.s32 s0, $0x0;
	s0 =	rddreg [dreg:$0x2]  }
0x87: {  	s0 =	sadd.s32 @!p0 $0x100000, s0  }
0x88: {  	[sflag:s0] =	ssyncadd.tile.s32 @!p0 $0x1;
	_ =	shalt  }
.Lfunc_end2:
_tile_overlayer_lowered:
.L_overlay_start_2:
0x89: {  	(tag) =	ssettag $0x2  }
0x8a: {  	s0 =	rddreg [dreg:$0x0];
	s2 =	stileid.u32  }
0x8b: {  	s1 =	rddreg [dreg:$0x1];
	p0 =	sne.s32 s2, $0x0  }
0x8c: {  	s3 =	rddreg [dreg:$0x2];
	[bflag:$0x3] =	sbarrier.arrive $0xFFFF;
	s2 =	simm.s32 @!p0 $0x1C02  }
0x8d: {  	[timem:s3], [sflag:s2] =	dma.local @!p0 [hbm:s0], s1  }
0x8e: {  	s0 =	simm.s32 @!p0 $0x2  }
0x8f: {  	_ =	swait.ge @!p0 [sflag:s0], s1  }
0x90: {  	s1 =	ssub.s32 @!p0 $0x0, s1;
	[sflag:s0] =	ssyncset.done @!p0 $0x0  }
0x91: {  	[sflag:s0] =	ssyncadd.s32 @!p0 s1  }
0x92: {  	[bflag:$0x3] =	sbarrier.arrive $0xFFFF  }
0x93: {  	_ =	shalt  }

</sc_bundles>
